<compile_context>
chip_gen: v7x
topology: tpu7x:2x2x1
jax: 0.10.2.dev20260603
libtpu: 0.0.44.dev20260713+nightly
codegen_flags: <defaults>
</compile_context>

<pallas_src>
import jax
import jax.numpy as jnp
from jax.experimental import pallas as pl
from jax.experimental.pallas import tpu as pltpu
from functools import partial

T, B, N, D_IN = 12, 64, 207, 2
HID = 64
P = 2
BP = B // P
PH = P * HID
PX = P * D_IN
BF = jnp.bfloat16

_DIFF_DIMS = (((1,), (0,)), ((), ()))
_PROJ_DIMS = (((2,), (0,)), ((), ()))
_PROJT_DIMS = (((1,), (0,)), ((), ()))

_diff32 = partial(jax.lax.dot_general, dimension_numbers=_DIFF_DIMS,
                  preferred_element_type=jnp.float32)


def _diffb(s, x):
    return _diff32(s, x).astype(BF)
_proj = partial(jax.lax.dot_general, dimension_numbers=_PROJ_DIMS,
                preferred_element_type=jnp.float32)
_projt = partial(jax.lax.dot_general, dimension_numbers=_PROJT_DIMS,
                 preferred_element_type=jnp.float32)


def _split_weights(W, fin, out):
    F = fin + HID
    Wr = W.reshape(F, 3, out)
    mats = (Wr[:, 0, :] - Wr[:, 2, :], Wr[:, 1, :], 2.0 * Wr[:, 2, :])
    eye = jnp.eye(P, dtype=W.dtype)
    xs, hs = [], []
    for m in mats:
        k = jnp.kron(eye, m).reshape(P, F, P * out)
        xs.append(k[:, :fin].reshape(P * fin, P * out))
        hs.append(k[:, fin:].reshape(P * HID, P * out))
    return jnp.concatenate(xs, axis=0), jnp.concatenate(hs, axis=0)


def _gate_perm():
    cols = jnp.arange(P * 2 * HID).reshape(P, 2, HID)
    return jnp.moveaxis(cols, 1, 0).reshape(-1)


def _fused_kernel(x_ref, s_ref,
                  wgx0_ref, wgh0_ref, bg0_ref, wcx0_ref, wch0_ref, bc0_ref,
                  wg1_ref, bg1_ref, wc1_ref, bc1_ref,
                  out1_ref, outh0_ref,
                  h0_scr, h1_scr, db_ref, xc_ref):
    t = pl.program_id(0)
    Sb = s_ref[...]

    @pl.when(t == 0)
    def _():
        h0_scr[...] = jnp.zeros_like(h0_scr)
        h1_scr[...] = jnp.zeros_like(h1_scr)
        db_ref[:, :, 0:3 * PH] = jnp.zeros_like(db_ref[:, :, 0:3 * PH])

    xb = x_ref[0]
    xc_ref[:, 0:PX, :] = xb
    x1b = _diffb(Sb, xb)
    xc_ref[:, PX:2 * PX, :] = x1b
    xc_ref[:, 2 * PX:3 * PX, :] = _diffb(Sb, x1b)
    xc = xc_ref[...]

    h0 = h0_scr[...]
    wgx = wgx0_ref[...]
    wgh = wgh0_ref[...]
    hsrc = db_ref[:, :, 0:3 * PH]
    r = jax.nn.sigmoid(_projt(xc, wgx[:, :PH]) + _proj(hsrc, wgh[:, :PH])
                       + bg0_ref[0])
    u = jax.nn.sigmoid(_projt(xc, wgx[:, PH:]) + _proj(hsrc, wgh[:, PH:])
                       + bg0_ref[1])
    rsb = (r * h0).astype(BF)
    db_ref[:, :, 3 * PH:4 * PH] = rsb
    rs1 = _diffb(Sb, rsb)
    db_ref[:, :, 4 * PH:5 * PH] = rs1
    db_ref[:, :, 5 * PH:6 * PH] = _diffb(Sb, rs1)
    c = (_projt(xc, wcx0_ref[...]) + _proj(db_ref[:, :, 3 * PH:], wch0_ref[...])
         + bc0_ref[...])
    c = jnp.tanh(c)
    h0n = c + u * (h0 - c)
    h0_scr[...] = h0n

    h0nb = h0n.astype(BF)
    db_ref[:, :, 0:PH] = h0nb
    b1 = _diffb(Sb, h0nb)
    db_ref[:, :, PH:2 * PH] = b1
    db_ref[:, :, 2 * PH:3 * PH] = _diffb(Sb, b1)

    h1 = h1_scr[...]
    h1b = h1.astype(BF)
    db_ref[:, :, 3 * PH:4 * PH] = h1b
    hh1 = _diffb(Sb, h1b)
    db_ref[:, :, 4 * PH:5 * PH] = hh1
    db_ref[:, :, 5 * PH:6 * PH] = _diffb(Sb, hh1)
    wg1 = wg1_ref[...]
    dball = db_ref[...]
    r1 = jax.nn.sigmoid(_proj(dball, wg1[:, :PH]) + bg1_ref[0])
    u1 = jax.nn.sigmoid(_proj(dball, wg1[:, PH:]) + bg1_ref[1])
    rs1b = (r1 * h1).astype(BF)
    db_ref[:, :, 3 * PH:4 * PH] = rs1b
    rr1 = _diffb(Sb, rs1b)
    db_ref[:, :, 4 * PH:5 * PH] = rr1
    db_ref[:, :, 5 * PH:6 * PH] = _diffb(Sb, rr1)
    c1 = _proj(db_ref[...], wc1_ref[...]) + bc1_ref[...]
    c1 = jnp.tanh(c1)
    h1n = c1 + u1 * (h1 - c1)
    h1_scr[...] = h1n
    out1_ref[0] = h1n.astype(BF)

    @pl.when(t == T - 1)
    def _():
        outh0_ref[...] = h0n.astype(BF)


@jax.jit
def kernel(inputs, initial_hidden_state, supports, Wg0, bg0, Wc0, bc0,
           Wg1, bg1, Wc1, bc1):
    S = supports[0].astype(BF)
    xseq = inputs.transpose(0, 2, 3, 1)
    xseq = xseq.reshape(T, N, D_IN, BP, P)
    xseq = xseq.transpose(0, 1, 4, 2, 3).reshape(T, N, PX, BP)
    xseq = xseq.astype(BF)

    perm = _gate_perm()
    wgx0, wgh0 = _split_weights(Wg0, D_IN, 2 * HID)
    wcx0, wch0 = _split_weights(Wc0, D_IN, HID)
    wgx1, wgh1 = _split_weights(Wg1, HID, 2 * HID)
    wcx1, wch1 = _split_weights(Wc1, HID, HID)
    wgx0 = wgx0[:, perm].astype(BF)
    wgh0 = wgh0[:, perm].astype(BF)
    wcx0 = wcx0.astype(BF)
    wch0 = wch0.astype(BF)
    wg1 = jnp.concatenate([wgx1, wgh1], axis=0)[:, perm].astype(BF)
    wc1 = jnp.concatenate([wcx1, wch1], axis=0).astype(BF)
    bg0p = jnp.tile(bg0, (P,))[perm].reshape(2, PH)
    bg1p = jnp.tile(bg1, (P,))[perm].reshape(2, PH)
    bc0p = jnp.tile(bc0, (P,))
    bc1p = jnp.tile(bc1, (P,))

    full = lambda shape: pl.BlockSpec(shape, lambda t: (0,) * len(shape))
    seq = lambda shape: pl.BlockSpec(shape, lambda t: (t, 0, 0, 0))

    cur1, hlast0 = pl.pallas_call(
        _fused_kernel,
        grid=(T,),
        in_specs=[
            seq((1, N, PX, BP)),
            full((N, N)),
            full(wgx0.shape), full(wgh0.shape), full(bg0p.shape),
            full(wcx0.shape), full(wch0.shape), full(bc0p.shape),
            full(wg1.shape), full(bg1p.shape),
            full(wc1.shape), full(bc1p.shape),
        ],
        out_specs=[seq((1, N, BP, PH)), full((N, BP, PH))],
        out_shape=[jax.ShapeDtypeStruct((T, N, BP, PH), BF),
                   jax.ShapeDtypeStruct((N, BP, PH), BF)],
        scratch_shapes=[pltpu.VMEM((N, BP, PH), jnp.float32),
                        pltpu.VMEM((N, BP, PH), jnp.float32),
                        pltpu.VMEM((N, BP, 6 * PH), BF),
                        pltpu.VMEM((N, 3 * PX, BP), BF)],
    )(xseq, S,
      wgx0, wgh0, bg0p, wcx0, wch0, bc0p, wg1, bg1p, wc1, bc1p)

    def to_ref(a):
        *lead, n, bp, pf = a.shape
        a = a.reshape(*lead, n, bp * P, HID)
        a = jnp.moveaxis(a, -3, -2)
        return a.reshape(*lead, B, N * HID)

    current = to_ref(cur1).astype(jnp.float32)
    output_hidden = jnp.stack([to_ref(hlast0).astype(jnp.float32),
                               current[-1]], axis=0)
    return (output_hidden, current)

# --- scband reference (transcript-rebuilt; emitter-appended) ---
"""Pipeline reference for scband-dcrnnencoder-60696477827517 (READ-ONLY COPY).

The authoritative reference and input builder live on the scoring server;
editing this copy changes nothing except your own understanding.
"""

import jax, jax.numpy as jnp
import numpy as np

T, B, N, D_IN = 12, 64, 207, 2
HID = 64
K = 2
LAYERS = 2


def _gconv(supports, inputs, state, W, b, num_nodes, max_k):
    bsz = inputs.shape[0]
    x = inputs.reshape(bsz, num_nodes, -1)
    s = state.reshape(bsz, num_nodes, -1)
    xs = jnp.concatenate([x, s], axis=2)
    input_size = xs.shape[2]
    x0 = jnp.transpose(xs, (1, 2, 0)).reshape(num_nodes, input_size * bsz)
    mats = [x0]
    for i in range(supports.shape[0]):
        sup = supports[i]
        x1 = sup @ x0
        mats.append(x1)
        xk_2, xk_1 = x0, x1
        for k in range(2, max_k + 1):
            x2 = 2.0 * (sup @ xk_1) - xk_2
            mats.append(x2)
            xk_2, xk_1 = xk_1, x2
    num_matrices = len(mats)
    xc = jnp.stack(mats, axis=0)
    xc = xc.reshape(num_matrices, num_nodes, input_size, bsz)
    xc = jnp.transpose(xc, (3, 1, 2, 0)).reshape(bsz * num_nodes, input_size * num_matrices)
    out = xc @ W + b
    out_size = W.shape[1]
    return out.reshape(bsz, num_nodes * out_size)


def _dcgru_cell(supports, inputs, state, Wg, bg, Wc, bc, num_nodes, max_k, hid):
    value = jax.nn.sigmoid(_gconv(supports, inputs, state, Wg, bg, num_nodes, max_k))
    value = value.reshape(-1, num_nodes, 2 * hid)
    r = value[:, :, :hid].reshape(-1, num_nodes * hid)
    u = value[:, :, hid:].reshape(-1, num_nodes * hid)
    c = _gconv(supports, inputs, r * state, Wc, bc, num_nodes, max_k)
    c = jnp.tanh(c)
    new_state = u * state + (1.0 - u) * c
    return new_state


def setup_inputs(seed: int = 0):
    key = jax.random.key(seed)
    ks = jax.random.split(key, 8)
    inputs = jax.random.normal(ks[0], (T, B, N, D_IN), dtype=jnp.float32)
    initial_hidden_state = jnp.zeros((LAYERS, B, N * HID), dtype=jnp.float32)
    supports = jax.random.uniform(ks[1], (1, N, N), dtype=jnp.float32) / float(N)
    in0 = (D_IN + HID) * (K + 1)
    in1 = (HID + HID) * (K + 1)
    sc = 0.1
    Wg0 = jax.random.normal(ks[2], (in0, 2 * HID), dtype=jnp.float32) * sc
    bg0 = jnp.ones((2 * HID,), dtype=jnp.float32)
    Wc0 = jax.random.normal(ks[3], (in0, HID), dtype=jnp.float32) * sc
    bc0 = jnp.zeros((HID,), dtype=jnp.float32)
    Wg1 = jax.random.normal(ks[4], (in1, 2 * HID), dtype=jnp.float32) * sc
    bg1 = jnp.ones((2 * HID,), dtype=jnp.float32)
    Wc1 = jax.random.normal(ks[5], (in1, HID), dtype=jnp.float32) * sc
    bc1 = jnp.zeros((HID,), dtype=jnp.float32)
    return {"inputs": inputs, "initial_hidden_state": initial_hidden_state, "supports": supports,
            "Wg0": Wg0, "bg0": bg0, "Wc0": Wc0, "bc0": bc0,
            "Wg1": Wg1, "bg1": bg1, "Wc1": Wc1, "bc1": bc1}


def reference(inputs, initial_hidden_state, supports, Wg0, bg0, Wc0, bc0, Wg1, bg1, Wc1, bc1):
    seq_length, batch_size, num_nodes = inputs.shape[0], inputs.shape[1], inputs.shape[2]
    current = inputs.reshape(seq_length, batch_size, -1)
    params = [(Wg0, bg0, Wc0, bc0), (Wg1, bg1, Wc1, bc1)]
    output_hidden = []
    for l in range(LAYERS):
        h = initial_hidden_state[l]
        outs = []
        for t in range(seq_length):
            Wg, bg, Wc, bc = params[l]
            h = _dcgru_cell(supports, current[t], h, Wg, bg, Wc, bc, num_nodes, K, HID)
            outs.append(h)
        current = jnp.stack(outs, axis=0)
        output_hidden.append(h)
    return (jnp.stack(output_hidden, axis=0), current)

if __name__ == "__main__":
    import jax
    _d = setup_inputs()
    print(jax.jit(kernel)(*tuple(_d.values())))

</pallas_src>

<mosaic_0001>
module attributes {stable_mosaic.version = 14 : i64} {
  func.func @_fused_kernel(%arg0: i32, %arg1: memref<1x207x4x32xbf16, #tpu.memory_space<vmem>>, %arg2: memref<207x207xbf16, #tpu.memory_space<vmem>>, %arg3: memref<12x256xbf16, #tpu.memory_space<vmem>>, %arg4: memref<384x256xbf16, #tpu.memory_space<vmem>>, %arg5: memref<2x128xf32, #tpu.memory_space<vmem>>, %arg6: memref<12x128xbf16, #tpu.memory_space<vmem>>, %arg7: memref<384x128xbf16, #tpu.memory_space<vmem>>, %arg8: memref<128xf32, #tpu.memory_space<vmem>>, %arg9: memref<768x256xbf16, #tpu.memory_space<vmem>>, %arg10: memref<2x128xf32, #tpu.memory_space<vmem>>, %arg11: memref<768x128xbf16, #tpu.memory_space<vmem>>, %arg12: memref<128xf32, #tpu.memory_space<vmem>>, %arg13: memref<1x207x32x128xbf16, #tpu.memory_space<vmem>>, %arg14: memref<207x32x128xbf16, #tpu.memory_space<vmem>>, %arg15: memref<207x32x128xf32, #tpu.memory_space<vmem>>, %arg16: memref<207x32x128xf32, #tpu.memory_space<vmem>>, %arg17: memref<207x32x768xbf16, #tpu.memory_space<vmem>>, %arg18: memref<207x12x32xbf16, #tpu.memory_space<vmem>>) attributes {dimension_semantics = [#tpu.dimension_semantics<arbitrary>], iteration_bounds = array<i64: 12>, scalar_prefetch = 0 : i64, scratch_operands = 4 : i64, tpu.core_type = #tpu.core_type<tc>, window_params = [{transform_indices = @transform_0, window_bounds = array<i64: 1, 207, 4, 32>}, {pipeline_mode = #tpu.pipeline_mode<synchronous>, transform_indices = @transform_1, window_bounds = array<i64: 207, 207>}, {pipeline_mode = #tpu.pipeline_mode<synchronous>, transform_indices = @transform_2, window_bounds = array<i64: 12, 256>}, {pipeline_mode = #tpu.pipeline_mode<synchronous>, transform_indices = @transform_3, window_bounds = array<i64: 384, 256>}, {pipeline_mode = #tpu.pipeline_mode<synchronous>, transform_indices = @transform_4, window_bounds = array<i64: 2, 128>}, {pipeline_mode = #tpu.pipeline_mode<synchronous>, transform_indices = @transform_5, window_bounds = array<i64: 12, 128>}, {pipeline_mode = #tpu.pipeline_mode<synchronous>, transform_indices = @transform_6, window_bounds = array<i64: 384, 128>}, {pipeline_mode = #tpu.pipeline_mode<synchronous>, transform_indices = @transform_7, window_bounds = array<i64: 128>}, {pipeline_mode = #tpu.pipeline_mode<synchronous>, transform_indices = @transform_8, window_bounds = array<i64: 768, 256>}, {pipeline_mode = #tpu.pipeline_mode<synchronous>, transform_indices = @transform_9, window_bounds = array<i64: 2, 128>}, {pipeline_mode = #tpu.pipeline_mode<synchronous>, transform_indices = @transform_10, window_bounds = array<i64: 768, 128>}, {pipeline_mode = #tpu.pipeline_mode<synchronous>, transform_indices = @transform_11, window_bounds = array<i64: 128>}, {transform_indices = @transform_12, window_bounds = array<i64: 1, 207, 32, 128>}, {pipeline_mode = #tpu.pipeline_mode<synchronous>, transform_indices = @transform_13, window_bounds = array<i64: 207, 32, 128>}]} {
    %get3A = arith.constant 0 : index
    %get3A_0 = arith.constant 0 : index
    %get3A_1 = vector.load %arg2[%get3A, %get3A_0] : memref<207x207xbf16, #tpu.memory_space<vmem>>, vector<207x207xbf16>
    %eq3A = arith.constant 0 : i32
    %eq3A_2 = arith.cmpi eq, %arg0, %eq3A : i32
    %convert_element_type3A = arith.extui %eq3A_2 : i1 to i32
    %cond3A = arith.constant 0 : i32
    %cond3A_3 = arith.cmpi ne, %convert_element_type3A, %cond3A : i32
    scf.if %cond3A_3 {
      %broadcast_in_dim3A_261 = arith.constant 0.000000e+00 : f32
      %broadcast_in_dim3A_262 = vector.broadcast %broadcast_in_dim3A_261 : f32 to vector<207x32x128xf32>
      %swap3A_263 = arith.constant 0 : index
      %swap3A_264 = arith.constant 0 : index
      %swap3A_265 = arith.constant 0 : index
      %swap3A_266 = vector.load %arg15[%swap3A_263, %swap3A_264, %swap3A_265] : memref<207x32x128xf32, #tpu.memory_space<vmem>>, vector<207x32x128xf32>
      tpu.vector_store %arg15[%swap3A_263, %swap3A_264, %swap3A_265], %broadcast_in_dim3A_262 {strides = array<i32>} : memref<207x32x128xf32, #tpu.memory_space<vmem>>, vector<207x32x128xf32>,
      %broadcast_in_dim3A_267 = arith.constant 0.000000e+00 : f32
      %broadcast_in_dim3A_268 = vector.broadcast %broadcast_in_dim3A_267 : f32 to vector<207x32x128xf32>
      %swap3A_269 = arith.constant 0 : index
      %swap3A_270 = arith.constant 0 : index
      %swap3A_271 = arith.constant 0 : index
      %swap3A_272 = vector.load %arg16[%swap3A_269, %swap3A_270, %swap3A_271] : memref<207x32x128xf32, #tpu.memory_space<vmem>>, vector<207x32x128xf32>
      tpu.vector_store %arg16[%swap3A_269, %swap3A_270, %swap3A_271], %broadcast_in_dim3A_268 {strides = array<i32>} : memref<207x32x128xf32, #tpu.memory_space<vmem>>, vector<207x32x128xf32>,
      %broadcast_in_dim3A_273 = arith.constant 0.000000e+00 : bf16
      %broadcast_in_dim3A_274 = vector.broadcast %broadcast_in_dim3A_273 : bf16 to vector<207x32x384xbf16>
      %swap3A_275 = arith.constant 0 : index
      %swap3A_276 = arith.constant 0 : index
      %swap3A_277 = arith.constant 0 : index
      %swap3A_278 = vector.load %arg17[%swap3A_275, %swap3A_276, %swap3A_277] : memref<207x32x768xbf16, #tpu.memory_space<vmem>>, vector<207x32x384xbf16>
      tpu.vector_store %arg17[%swap3A_275, %swap3A_276, %swap3A_277], %broadcast_in_dim3A_274 {strides = array<i32>} : memref<207x32x768xbf16, #tpu.memory_space<vmem>>, vector<207x32x384xbf16>,
    } else {
    }
    %get3A_4 = arith.constant 0 : index
    %get3A_5 = arith.constant 0 : index
    %get3A_6 = arith.constant 0 : index
    %get3A_7 = arith.constant 0 : index
    %get3A_8 = vector.load %arg1[%get3A_4, %get3A_5, %get3A_6, %get3A_7] : memref<1x207x4x32xbf16, #tpu.memory_space<vmem>>, vector<1x207x4x32xbf16>
    %get3A_9 = vector.shape_cast %get3A_8 : vector<1x207x4x32xbf16> to vector<207x4x32xbf16>
    %swap3A = arith.constant 0 : index
    %swap3A_10 = arith.constant 0 : index
    %swap3A_11 = arith.constant 0 : index
    %swap3A_12 = vector.load %arg18[%swap3A, %swap3A_10, %swap3A_11] : memref<207x12x32xbf16, #tpu.memory_space<vmem>>, vector<207x4x32xbf16>
    tpu.vector_store %arg18[%swap3A, %swap3A_10, %swap3A_11], %get3A_9 {strides = array<i32>} : memref<207x12x32xbf16, #tpu.memory_space<vmem>>, vector<207x4x32xbf16>,
    %dot_general3A = arith.constant dense<0.000000e+00> : vector<207x4x32xf32>
    %dot_general3A_13 = tpu.matmul %get3A_1, %get3A_9, %dot_general3A {dimension_numbers = #tpu.dot_dimension_numbers<[1], [0], [0], [1, 2], [0, 0, 1, 1, 1, 2], [], []>, transpose_lhs_hint = false} : vector<207x207xbf16>, vector<207x4x32xbf16>, vector<207x4x32xf32> -> vector<207x4x32xf32>
    %convert_element_type3A_14 = arith.truncf %dot_general3A_13 : vector<207x4x32xf32> to vector<207x4x32xbf16>
    %swap3A_15 = arith.constant 0 : index
    %swap3A_16 = arith.constant 4 : index
    %swap3A_17 = arith.constant 0 : index
    %swap3A_18 = vector.load %arg18[%swap3A_15, %swap3A_16, %swap3A_17] : memref<207x12x32xbf16, #tpu.memory_space<vmem>>, vector<207x4x32xbf16>
    tpu.vector_store %arg18[%swap3A_15, %swap3A_16, %swap3A_17], %convert_element_type3A_14 {strides = array<i32>} : memref<207x12x32xbf16, #tpu.memory_space<vmem>>, vector<207x4x32xbf16>,
    %dot_general3A_19 = arith.constant dense<0.000000e+00> : vector<207x4x32xf32>
    %dot_general3A_20 = tpu.matmul %get3A_1, %convert_element_type3A_14, %dot_general3A_19 {dimension_numbers = #tpu.dot_dimension_numbers<[1], [0], [0], [1, 2], [0, 0, 1, 1, 1, 2], [], []>, transpose_lhs_hint = false} : vector<207x207xbf16>, vector<207x4x32xbf16>, vector<207x4x32xf32> -> vector<207x4x32xf32>
    %convert_element_type3A_21 = arith.truncf %dot_general3A_20 : vector<207x4x32xf32> to vector<207x4x32xbf16>
    %swap3A_22 = arith.constant 0 : index
    %swap3A_23 = arith.constant 8 : index
    %swap3A_24 = arith.constant 0 : index
    %swap3A_25 = vector.load %arg18[%swap3A_22, %swap3A_23, %swap3A_24] : memref<207x12x32xbf16, #tpu.memory_space<vmem>>, vector<207x4x32xbf16>
    tpu.vector_store %arg18[%swap3A_22, %swap3A_23, %swap3A_24], %convert_element_type3A_21 {strides = array<i32>} : memref<207x12x32xbf16, #tpu.memory_space<vmem>>, vector<207x4x32xbf16>,
    %get3A_26 = arith.constant 0 : index
    %get3A_27 = arith.constant 0 : index
    %get3A_28 = arith.constant 0 : index
    %get3A_29 = vector.load %arg18[%get3A_26, %get3A_27, %get3A_28] : memref<207x12x32xbf16, #tpu.memory_space<vmem>>, vector<207x12x32xbf16>
    %get3A_30 = arith.constant 0 : index
    %get3A_31 = arith.constant 0 : index
    %get3A_32 = arith.constant 0 : index
    %get3A_33 = vector.load %arg15[%get3A_30, %get3A_31, %get3A_32] : memref<207x32x128xf32, #tpu.memory_space<vmem>>, vector<207x32x128xf32>
    %get3A_34 = arith.constant 0 : index
    %get3A_35 = arith.constant 0 : index
    %get3A_36 = vector.load %arg3[%get3A_34, %get3A_35] : memref<12x256xbf16, #tpu.memory_space<vmem>>, vector<12x256xbf16>
    %get3A_37 = arith.constant 0 : index
    %get3A_38 = arith.constant 0 : index
    %get3A_39 = vector.load %arg4[%get3A_37, %get3A_38] : memref<384x256xbf16, #tpu.memory_space<vmem>>, vector<384x256xbf16>
    %get3A_40 = arith.constant 0 : index
    %get3A_41 = arith.constant 0 : index
    %get3A_42 = arith.constant 0 : index
    %get3A_43 = vector.load %arg17[%get3A_40, %get3A_41, %get3A_42] : memref<207x32x768xbf16, #tpu.memory_space<vmem>>, vector<207x32x384xbf16>
    %slice3A = vector.extract_strided_slice %get3A_36 {offsets = [0, 0], sizes = [12, 128], strides = [1, 1]} : vector<12x256xbf16> to vector<12x128xbf16>
    %dot_general3A_44 = arith.constant dense<0.000000e+00> : vector<207x32x128xf32>
    %dot_general3A_45 = tpu.matmul %get3A_29, %slice3A, %dot_general3A_44 {dimension_numbers = #tpu.dot_dimension_numbers<[1], [0], [0, 2], [1], [0, 0, 0, 2, 1, 1], [], []>, transpose_lhs_hint = false} : vector<207x12x32xbf16>, vector<12x128xbf16>, vector<207x32x128xf32> -> vector<207x32x128xf32>
    %slice3A_46 = vector.extract_strided_slice %get3A_39 {offsets = [0, 0], sizes = [384, 128], strides = [1, 1]} : vector<384x256xbf16> to vector<384x128xbf16>
    %dot_general3A_47 = arith.constant dense<0.000000e+00> : vector<207x32x128xf32>
    %dot_general3A_48 = tpu.matmul %get3A_43, %slice3A_46, %dot_general3A_47 {dimension_numbers = #tpu.dot_dimension_numbers<[2], [0], [0, 1], [1], [0, 0, 0, 1, 1, 1], [], []>, transpose_lhs_hint = false} : vector<207x32x384xbf16>, vector<384x128xbf16>, vector<207x32x128xf32> -> vector<207x32x128xf32>
    %add3A = arith.addf %dot_general3A_45, %dot_general3A_48 : vector<207x32x128xf32>
    %get3A_49 = arith.constant 0 : index
    %get3A_50 = arith.constant 0 : index
    %get3A_51 = vector.load %arg5[%get3A_49, %get3A_50] : memref<2x128xf32, #tpu.memory_space<vmem>>, vector<1x128xf32>
    %get3A_52 = vector.shape_cast %get3A_51 : vector<1x128xf32> to vector<128xf32>
    %broadcast_in_dim3A = vector.shape_cast %get3A_52 : vector<128xf32> to vector<1x1x128xf32>
    %add3A_53 = vector.broadcast %broadcast_in_dim3A : vector<1x1x128xf32> to vector<207x32x128xf32>
    %add3A_54 = arith.addf %add3A, %add3A_53 : vector<207x32x128xf32>
    %logistic3A = arith.negf %add3A_54 : vector<207x32x128xf32>
    %logistic3A_55 = math.exp %logistic3A : vector<207x32x128xf32>
    %logistic3A_56 = arith.constant 1.000000e+00 : f32
    %logistic3A_57 = vector.broadcast %logistic3A_56 : f32 to vector<207x32x128xf32>
    %logistic3A_58 = arith.addf %logistic3A_57, %logistic3A_55 : vector<207x32x128xf32>
    %logistic3A_59 = arith.divf %logistic3A_57, %logistic3A_58 : vector<207x32x128xf32>
    %slice3A_60 = vector.extract_strided_slice %get3A_36 {offsets = [0, 128], sizes = [12, 128], strides = [1, 1]} : vector<12x256xbf16> to vector<12x128xbf16>
    %dot_general3A_61 = arith.constant dense<0.000000e+00> : vector<207x32x128xf32>
    %dot_general3A_62 = tpu.matmul %get3A_29, %slice3A_60, %dot_general3A_61 {dimension_numbers = #tpu.dot_dimension_numbers<[1], [0], [0, 2], [1], [0, 0, 0, 2, 1, 1], [], []>, transpose_lhs_hint = false} : vector<207x12x32xbf16>, vector<12x128xbf16>, vector<207x32x128xf32> -> vector<207x32x128xf32>
    %slice3A_63 = vector.extract_strided_slice %get3A_39 {offsets = [0, 128], sizes = [384, 128], strides = [1, 1]} : vector<384x256xbf16> to vector<384x128xbf16>
    %dot_general3A_64 = arith.constant dense<0.000000e+00> : vector<207x32x128xf32>
    %dot_general3A_65 = tpu.matmul %get3A_43, %slice3A_63, %dot_general3A_64 {dimension_numbers = #tpu.dot_dimension_numbers<[2], [0], [0, 1], [1], [0, 0, 0, 1, 1, 1], [], []>, transpose_lhs_hint = false} : vector<207x32x384xbf16>, vector<384x128xbf16>, vector<207x32x128xf32> -> vector<207x32x128xf32>
    %add3A_66 = arith.addf %dot_general3A_62, %dot_general3A_65 : vector<207x32x128xf32>
    %get3A_67 = arith.constant 1 : index
    %get3A_68 = arith.constant 0 : index
    %get3A_69 = vector.load %arg5[%get3A_67, %get3A_68] : memref<2x128xf32, #tpu.memory_space<vmem>>, vector<1x128xf32>
    %get3A_70 = vector.shape_cast %get3A_69 : vector<1x128xf32> to vector<128xf32>
    %broadcast_in_dim3A_71 = vector.shape_cast %get3A_70 : vector<128xf32> to vector<1x1x128xf32>
    %add3A_72 = vector.broadcast %broadcast_in_dim3A_71 : vector<1x1x128xf32> to vector<207x32x128xf32>
    %add3A_73 = arith.addf %add3A_66, %add3A_72 : vector<207x32x128xf32>
    %logistic3A_74 = arith.negf %add3A_73 : vector<207x32x128xf32>
    %logistic3A_75 = math.exp %logistic3A_74 : vector<207x32x128xf32>
    %logistic3A_76 = arith.constant 1.000000e+00 : f32
    %logistic3A_77 = vector.broadcast %logistic3A_76 : f32 to vector<207x32x128xf32>
    %logistic3A_78 = arith.addf %logistic3A_77, %logistic3A_75 : vector<207x32x128xf32>
    %logistic3A_79 = arith.divf %logistic3A_77, %logistic3A_78 : vector<207x32x128xf32>
    %mul3A = arith.mulf %logistic3A_59, %get3A_33 : vector<207x32x128xf32>
    %convert_element_type3A_80 = arith.truncf %mul3A : vector<207x32x128xf32> to vector<207x32x128xbf16>
    %swap3A_81 = arith.constant 0 : index
    %swap3A_82 = arith.constant 0 : index
    %swap3A_83 = arith.constant 384 : index
    %swap3A_84 = vector.load %arg17[%swap3A_81, %swap3A_82, %swap3A_83] : memref<207x32x768xbf16, #tpu.memory_space<vmem>>, vector<207x32x128xbf16>
    tpu.vector_store %arg17[%swap3A_81, %swap3A_82, %swap3A_83], %convert_element_type3A_80 {strides = array<i32>} : memref<207x32x768xbf16, #tpu.memory_space<vmem>>, vector<207x32x128xbf16>,
    %dot_general3A_85 = arith.constant dense<0.000000e+00> : vector<207x32x128xf32>
    %dot_general3A_86 = tpu.matmul %get3A_1, %convert_element_type3A_80, %dot_general3A_85 {dimension_numbers = #tpu.dot_dimension_numbers<[1], [0], [0], [1, 2], [0, 0, 1, 1, 1, 2], [], []>, transpose_lhs_hint = false} : vector<207x207xbf16>, vector<207x32x128xbf16>, vector<207x32x128xf32> -> vector<207x32x128xf32>
    %convert_element_type3A_87 = arith.truncf %dot_general3A_86 : vector<207x32x128xf32> to vector<207x32x128xbf16>
    %swap3A_88 = arith.constant 0 : index
    %swap3A_89 = arith.constant 0 : index
    %swap3A_90 = arith.constant 512 : index
    %swap3A_91 = vector.load %arg17[%swap3A_88, %swap3A_89, %swap3A_90] : memref<207x32x768xbf16, #tpu.memory_space<vmem>>, vector<207x32x128xbf16>
    tpu.vector_store %arg17[%swap3A_88, %swap3A_89, %swap3A_90], %convert_element_type3A_87 {strides = array<i32>} : memref<207x32x768xbf16, #tpu.memory_space<vmem>>, vector<207x32x128xbf16>,
    %dot_general3A_92 = arith.constant dense<0.000000e+00> : vector<207x32x128xf32>
    %dot_general3A_93 = tpu.matmul %get3A_1, %convert_element_type3A_87, %dot_general3A_92 {dimension_numbers = #tpu.dot_dimension_numbers<[1], [0], [0], [1, 2], [0, 0, 1, 1, 1, 2], [], []>, transpose_lhs_hint = false} : vector<207x207xbf16>, vector<207x32x128xbf16>, vector<207x32x128xf32> -> vector<207x32x128xf32>
    %convert_element_type3A_94 = arith.truncf %dot_general3A_93 : vector<207x32x128xf32> to vector<207x32x128xbf16>
    %swap3A_95 = arith.constant 0 : index
    %swap3A_96 = arith.constant 0 : index
    %swap3A_97 = arith.constant 640 : index
    %swap3A_98 = vector.load %arg17[%swap3A_95, %swap3A_96, %swap3A_97] : memref<207x32x768xbf16, #tpu.memory_space<vmem>>, vector<207x32x128xbf16>
    tpu.vector_store %arg17[%swap3A_95, %swap3A_96, %swap3A_97], %convert_element_type3A_94 {strides = array<i32>} : memref<207x32x768xbf16, #tpu.memory_space<vmem>>, vector<207x32x128xbf16>,
    %get3A_99 = arith.constant 0 : index
    %get3A_100 = arith.constant 0 : index
    %get3A_101 = vector.load %arg6[%get3A_99, %get3A_100] : memref<12x128xbf16, #tpu.memory_space<vmem>>, vector<12x128xbf16>
    %dot_general3A_102 = arith.constant dense<0.000000e+00> : vector<207x32x128xf32>
    %dot_general3A_103 = tpu.matmul %get3A_29, %get3A_101, %dot_general3A_102 {dimension_numbers = #tpu.dot_dimension_numbers<[1], [0], [0, 2], [1], [0, 0, 0, 2, 1, 1], [], []>, transpose_lhs_hint = false} : vector<207x12x32xbf16>, vector<12x128xbf16>, vector<207x32x128xf32> -> vector<207x32x128xf32>
    %get3A_104 = arith.constant 0 : index
    %get3A_105 = arith.constant 0 : index
    %get3A_106 = arith.constant 384 : index
    %get3A_107 = vector.load %arg17[%get3A_104, %get3A_105, %get3A_106] : memref<207x32x768xbf16, #tpu.memory_space<vmem>>, vector<207x32x384xbf16>
    %get3A_108 = arith.constant 0 : index
    %get3A_109 = arith.constant 0 : index
    %get3A_110 = vector.load %arg7[%get3A_108, %get3A_109] : memref<384x128xbf16, #tpu.memory_space<vmem>>, vector<384x128xbf16>
    %dot_general3A_111 = arith.constant dense<0.000000e+00> : vector<207x32x128xf32>
    %dot_general3A_112 = tpu.matmul %get3A_107, %get3A_110, %dot_general3A_111 {dimension_numbers = #tpu.dot_dimension_numbers<[2], [0], [0, 1], [1], [0, 0, 0, 1, 1, 1], [], []>, transpose_lhs_hint = false} : vector<207x32x384xbf16>, vector<384x128xbf16>, vector<207x32x128xf32> -> vector<207x32x128xf32>
    %add3A_113 = arith.addf %dot_general3A_103, %dot_general3A_112 : vector<207x32x128xf32>
    %get3A_114 = arith.constant 0 : index
    %get3A_115 = vector.load %arg8[%get3A_114] : memref<128xf32, #tpu.memory_space<vmem>>, vector<128xf32>
    %broadcast_in_dim3A_116 = vector.shape_cast %get3A_115 : vector<128xf32> to vector<1x1x128xf32>
    %add3A_117 = vector.broadcast %broadcast_in_dim3A_116 : vector<1x1x128xf32> to vector<207x32x128xf32>
    %add3A_118 = arith.addf %add3A_113, %add3A_117 : vector<207x32x128xf32>
    %tanh3A = math.tanh %add3A_118 : vector<207x32x128xf32>
    %sub3A = arith.subf %get3A_33, %tanh3A : vector<207x32x128xf32>
    %mul3A_119 = arith.mulf %logistic3A_79, %sub3A : vector<207x32x128xf32>
    %add3A_120 = arith.addf %tanh3A, %mul3A_119 : vector<207x32x128xf32>
    %swap3A_121 = arith.constant 0 : index
    %swap3A_122 = arith.constant 0 : index
    %swap3A_123 = arith.constant 0 : index
    %swap3A_124 = vector.load %arg15[%swap3A_121, %swap3A_122, %swap3A_123] : memref<207x32x128xf32, #tpu.memory_space<vmem>>, vector<207x32x128xf32>
    tpu.vector_store %arg15[%swap3A_121, %swap3A_122, %swap3A_123], %add3A_120 {strides = array<i32>} : memref<207x32x128xf32, #tpu.memory_space<vmem>>, vector<207x32x128xf32>,
    %convert_element_type3A_125 = arith.truncf %add3A_120 : vector<207x32x128xf32> to vector<207x32x128xbf16>
    %swap3A_126 = arith.constant 0 : index
    %swap3A_127 = arith.constant 0 : index
    %swap3A_128 = arith.constant 0 : index
    %swap3A_129 = vector.load %arg17[%swap3A_126, %swap3A_127, %swap3A_128] : memref<207x32x768xbf16, #tpu.memory_space<vmem>>, vector<207x32x128xbf16>
    tpu.vector_store %arg17[%swap3A_126, %swap3A_127, %swap3A_128], %convert_element_type3A_125 {strides = array<i32>} : memref<207x32x768xbf16, #tpu.memory_space<vmem>>, vector<207x32x128xbf16>,
    %dot_general3A_130 = arith.constant dense<0.000000e+00> : vector<207x32x128xf32>
    %dot_general3A_131 = tpu.matmul %get3A_1, %convert_element_type3A_125, %dot_general3A_130 {dimension_numbers = #tpu.dot_dimension_numbers<[1], [0], [0], [1, 2], [0, 0, 1, 1, 1, 2], [], []>, transpose_lhs_hint = false} : vector<207x207xbf16>, vector<207x32x128xbf16>, vector<207x32x128xf32> -> vector<207x32x128xf32>
    %convert_element_type3A_132 = arith.truncf %dot_general3A_131 : vector<207x32x128xf32> to vector<207x32x128xbf16>
    %swap3A_133 = arith.constant 0 : index
    %swap3A_134 = arith.constant 0 : index
    %swap3A_135 = arith.constant 128 : index
    %swap3A_136 = vector.load %arg17[%swap3A_133, %swap3A_134, %swap3A_135] : memref<207x32x768xbf16, #tpu.memory_space<vmem>>, vector<207x32x128xbf16>
    tpu.vector_store %arg17[%swap3A_133, %swap3A_134, %swap3A_135], %convert_element_type3A_132 {strides = array<i32>} : memref<207x32x768xbf16, #tpu.memory_space<vmem>>, vector<207x32x128xbf16>,
    %dot_general3A_137 = arith.constant dense<0.000000e+00> : vector<207x32x128xf32>
    %dot_general3A_138 = tpu.matmul %get3A_1, %convert_element_type3A_132, %dot_general3A_137 {dimension_numbers = #tpu.dot_dimension_numbers<[1], [0], [0], [1, 2], [0, 0, 1, 1, 1, 2], [], []>, transpose_lhs_hint = false} : vector<207x207xbf16>, vector<207x32x128xbf16>, vector<207x32x128xf32> -> vector<207x32x128xf32>
    %convert_element_type3A_139 = arith.truncf %dot_general3A_138 : vector<207x32x128xf32> to vector<207x32x128xbf16>
    %swap3A_140 = arith.constant 0 : index
    %swap3A_141 = arith.constant 0 : index
    %swap3A_142 = arith.constant 256 : index
    %swap3A_143 = vector.load %arg17[%swap3A_140, %swap3A_141, %swap3A_142] : memref<207x32x768xbf16, #tpu.memory_space<vmem>>, vector<207x32x128xbf16>
    tpu.vector_store %arg17[%swap3A_140, %swap3A_141, %swap3A_142], %convert_element_type3A_139 {strides = array<i32>} : memref<207x32x768xbf16, #tpu.memory_space<vmem>>, vector<207x32x128xbf16>,
    %get3A_144 = arith.constant 0 : index
    %get3A_145 = arith.constant 0 : index
    %get3A_146 = arith.constant 0 : index
    %get3A_147 = vector.load %arg16[%get3A_144, %get3A_145, %get3A_146] : memref<207x32x128xf32, #tpu.memory_space<vmem>>, vector<207x32x128xf32>
    %convert_element_type3A_148 = arith.truncf %get3A_147 : vector<207x32x128xf32> to vector<207x32x128xbf16>
    %swap3A_149 = arith.constant 0 : index
    %swap3A_150 = arith.constant 0 : index
    %swap3A_151 = arith.constant 384 : index
    %swap3A_152 = vector.load %arg17[%swap3A_149, %swap3A_150, %swap3A_151] : memref<207x32x768xbf16, #tpu.memory_space<vmem>>, vector<207x32x128xbf16>
    tpu.vector_store %arg17[%swap3A_149, %swap3A_150, %swap3A_151], %convert_element_type3A_148 {strides = array<i32>} : memref<207x32x768xbf16, #tpu.memory_space<vmem>>, vector<207x32x128xbf16>,
    %dot_general3A_153 = arith.constant dense<0.000000e+00> : vector<207x32x128xf32>
    %dot_general3A_154 = tpu.matmul %get3A_1, %convert_element_type3A_148, %dot_general3A_153 {dimension_numbers = #tpu.dot_dimension_numbers<[1], [0], [0], [1, 2], [0, 0, 1, 1, 1, 2], [], []>, transpose_lhs_hint = false} : vector<207x207xbf16>, vector<207x32x128xbf16>, vector<207x32x128xf32> -> vector<207x32x128xf32>
    %convert_element_type3A_155 = arith.truncf %dot_general3A_154 : vector<207x32x128xf32> to vector<207x32x128xbf16>
    %swap3A_156 = arith.constant 0 : index
    %swap3A_157 = arith.constant 0 : index
    %swap3A_158 = arith.constant 512 : index
    %swap3A_159 = vector.load %arg17[%swap3A_156, %swap3A_157, %swap3A_158] : memref<207x32x768xbf16, #tpu.memory_space<vmem>>, vector<207x32x128xbf16>
    tpu.vector_store %arg17[%swap3A_156, %swap3A_157, %swap3A_158], %convert_element_type3A_155 {strides = array<i32>} : memref<207x32x768xbf16, #tpu.memory_space<vmem>>, vector<207x32x128xbf16>,
    %dot_general3A_160 = arith.constant dense<0.000000e+00> : vector<207x32x128xf32>
    %dot_general3A_161 = tpu.matmul %get3A_1, %convert_element_type3A_155, %dot_general3A_160 {dimension_numbers = #tpu.dot_dimension_numbers<[1], [0], [0], [1, 2], [0, 0, 1, 1, 1, 2], [], []>, transpose_lhs_hint = false} : vector<207x207xbf16>, vector<207x32x128xbf16>, vector<207x32x128xf32> -> vector<207x32x128xf32>
    %convert_element_type3A_162 = arith.truncf %dot_general3A_161 : vector<207x32x128xf32> to vector<207x32x128xbf16>
    %swap3A_163 = arith.constant 0 : index
    %swap3A_164 = arith.constant 0 : index
    %swap3A_165 = arith.constant 640 : index
    %swap3A_166 = vector.load %arg17[%swap3A_163, %swap3A_164, %swap3A_165] : memref<207x32x768xbf16, #tpu.memory_space<vmem>>, vector<207x32x128xbf16>
    tpu.vector_store %arg17[%swap3A_163, %swap3A_164, %swap3A_165], %convert_element_type3A_162 {strides = array<i32>} : memref<207x32x768xbf16, #tpu.memory_space<vmem>>, vector<207x32x128xbf16>,
    %get3A_167 = arith.constant 0 : index
    %get3A_168 = arith.constant 0 : index
    %get3A_169 = vector.load %arg9[%get3A_167, %get3A_168] : memref<768x256xbf16, #tpu.memory_space<vmem>>, vector<768x256xbf16>
    %get3A_170 = arith.constant 0 : index
    %get3A_171 = arith.constant 0 : index
    %get3A_172 = arith.constant 0 : index
    %get3A_173 = vector.load %arg17[%get3A_170, %get3A_171, %get3A_172] : memref<207x32x768xbf16, #tpu.memory_space<vmem>>, vector<207x32x768xbf16>
    %slice3A_174 = vector.extract_strided_slice %get3A_169 {offsets = [0, 0], sizes = [768, 128], strides = [1, 1]} : vector<768x256xbf16> to vector<768x128xbf16>
    %dot_general3A_175 = arith.constant dense<0.000000e+00> : vector<207x32x128xf32>
    %dot_general3A_176 = tpu.matmul %get3A_173, %slice3A_174, %dot_general3A_175 {dimension_numbers = #tpu.dot_dimension_numbers<[2], [0], [0, 1], [1], [0, 0, 0, 1, 1, 1], [], []>, transpose_lhs_hint = false} : vector<207x32x768xbf16>, vector<768x128xbf16>, vector<207x32x128xf32> -> vector<207x32x128xf32>
    %get3A_177 = arith.constant 0 : index
    %get3A_178 = arith.constant 0 : index
    %get3A_179 = vector.load %arg10[%get3A_177, %get3A_178] : memref<2x128xf32, #tpu.memory_space<vmem>>, vector<1x128xf32>
    %get3A_180 = vector.shape_cast %get3A_179 : vector<1x128xf32> to vector<128xf32>
    %broadcast_in_dim3A_181 = vector.shape_cast %get3A_180 : vector<128xf32> to vector<1x1x128xf32>
    %add3A_182 = vector.broadcast %broadcast_in_dim3A_181 : vector<1x1x128xf32> to vector<207x32x128xf32>
    %add3A_183 = arith.addf %dot_general3A_176, %add3A_182 : vector<207x32x128xf32>
    %logistic3A_184 = arith.negf %add3A_183 : vector<207x32x128xf32>
    %logistic3A_185 = math.exp %logistic3A_184 : vector<207x32x128xf32>
    %logistic3A_186 = arith.constant 1.000000e+00 : f32
    %logistic3A_187 = vector.broadcast %logistic3A_186 : f32 to vector<207x32x128xf32>
    %logistic3A_188 = arith.addf %logistic3A_187, %logistic3A_185 : vector<207x32x128xf32>
    %logistic3A_189 = arith.divf %logistic3A_187, %logistic3A_188 : vector<207x32x128xf32>
    %slice3A_190 = vector.extract_strided_slice %get3A_169 {offsets = [0, 128], sizes = [768, 128], strides = [1, 1]} : vector<768x256xbf16> to vector<768x128xbf16>
    %dot_general3A_191 = arith.constant dense<0.000000e+00> : vector<207x32x128xf32>
    %dot_general3A_192 = tpu.matmul %get3A_173, %slice3A_190, %dot_general3A_191 {dimension_numbers = #tpu.dot_dimension_numbers<[2], [0], [0, 1], [1], [0, 0, 0, 1, 1, 1], [], []>, transpose_lhs_hint = false} : vector<207x32x768xbf16>, vector<768x128xbf16>, vector<207x32x128xf32> -> vector<207x32x128xf32>
    %get3A_193 = arith.constant 1 : index
    %get3A_194 = arith.constant 0 : index
    %get3A_195 = vector.load %arg10[%get3A_193, %get3A_194] : memref<2x128xf32, #tpu.memory_space<vmem>>, vector<1x128xf32>
    %get3A_196 = vector.shape_cast %get3A_195 : vector<1x128xf32> to vector<128xf32>
    %broadcast_in_dim3A_197 = vector.shape_cast %get3A_196 : vector<128xf32> to vector<1x1x128xf32>
    %add3A_198 = vector.broadcast %broadcast_in_dim3A_197 : vector<1x1x128xf32> to vector<207x32x128xf32>
    %add3A_199 = arith.addf %dot_general3A_192, %add3A_198 : vector<207x32x128xf32>
    %logistic3A_200 = arith.negf %add3A_199 : vector<207x32x128xf32>
    %logistic3A_201 = math.exp %logistic3A_200 : vector<207x32x128xf32>
    %logistic3A_202 = arith.constant 1.000000e+00 : f32
    %logistic3A_203 = vector.broadcast %logistic3A_202 : f32 to vector<207x32x128xf32>
    %logistic3A_204 = arith.addf %logistic3A_203, %logistic3A_201 : vector<207x32x128xf32>
    %logistic3A_205 = arith.divf %logistic3A_203, %logistic3A_204 : vector<207x32x128xf32>
    %mul3A_206 = arith.mulf %logistic3A_189, %get3A_147 : vector<207x32x128xf32>
    %convert_element_type3A_207 = arith.truncf %mul3A_206 : vector<207x32x128xf32> to vector<207x32x128xbf16>
    %swap3A_208 = arith.constant 0 : index
    %swap3A_209 = arith.constant 0 : index
    %swap3A_210 = arith.constant 384 : index
    %swap3A_211 = vector.load %arg17[%swap3A_208, %swap3A_209, %swap3A_210] : memref<207x32x768xbf16, #tpu.memory_space<vmem>>, vector<207x32x128xbf16>
    tpu.vector_store %arg17[%swap3A_208, %swap3A_209, %swap3A_210], %convert_element_type3A_207 {strides = array<i32>} : memref<207x32x768xbf16, #tpu.memory_space<vmem>>, vector<207x32x128xbf16>,
    %dot_general3A_212 = arith.constant dense<0.000000e+00> : vector<207x32x128xf32>
    %dot_general3A_213 = tpu.matmul %get3A_1, %convert_element_type3A_207, %dot_general3A_212 {dimension_numbers = #tpu.dot_dimension_numbers<[1], [0], [0], [1, 2], [0, 0, 1, 1, 1, 2], [], []>, transpose_lhs_hint = false} : vector<207x207xbf16>, vector<207x32x128xbf16>, vector<207x32x128xf32> -> vector<207x32x128xf32>
    %convert_element_type3A_214 = arith.truncf %dot_general3A_213 : vector<207x32x128xf32> to vector<207x32x128xbf16>
    %swap3A_215 = arith.constant 0 : index
    %swap3A_216 = arith.constant 0 : index
    %swap3A_217 = arith.constant 512 : index
    %swap3A_218 = vector.load %arg17[%swap3A_215, %swap3A_216, %swap3A_217] : memref<207x32x768xbf16, #tpu.memory_space<vmem>>, vector<207x32x128xbf16>
    tpu.vector_store %arg17[%swap3A_215, %swap3A_216, %swap3A_217], %convert_element_type3A_214 {strides = array<i32>} : memref<207x32x768xbf16, #tpu.memory_space<vmem>>, vector<207x32x128xbf16>,
    %dot_general3A_219 = arith.constant dense<0.000000e+00> : vector<207x32x128xf32>
    %dot_general3A_220 = tpu.matmul %get3A_1, %convert_element_type3A_214, %dot_general3A_219 {dimension_numbers = #tpu.dot_dimension_numbers<[1], [0], [0], [1, 2], [0, 0, 1, 1, 1, 2], [], []>, transpose_lhs_hint = false} : vector<207x207xbf16>, vector<207x32x128xbf16>, vector<207x32x128xf32> -> vector<207x32x128xf32>
    %convert_element_type3A_221 = arith.truncf %dot_general3A_220 : vector<207x32x128xf32> to vector<207x32x128xbf16>
    %swap3A_222 = arith.constant 0 : index
    %swap3A_223 = arith.constant 0 : index
    %swap3A_224 = arith.constant 640 : index
    %swap3A_225 = vector.load %arg17[%swap3A_222, %swap3A_223, %swap3A_224] : memref<207x32x768xbf16, #tpu.memory_space<vmem>>, vector<207x32x128xbf16>
    tpu.vector_store %arg17[%swap3A_222, %swap3A_223, %swap3A_224], %convert_element_type3A_221 {strides = array<i32>} : memref<207x32x768xbf16, #tpu.memory_space<vmem>>, vector<207x32x128xbf16>,
    %get3A_226 = arith.constant 0 : index
    %get3A_227 = arith.constant 0 : index
    %get3A_228 = arith.constant 0 : index
    %get3A_229 = vector.load %arg17[%get3A_226, %get3A_227, %get3A_228] : memref<207x32x768xbf16, #tpu.memory_space<vmem>>, vector<207x32x768xbf16>
    %get3A_230 = arith.constant 0 : index
    %get3A_231 = arith.constant 0 : index
    %get3A_232 = vector.load %arg11[%get3A_230, %get3A_231] : memref<768x128xbf16, #tpu.memory_space<vmem>>, vector<768x128xbf16>
    %dot_general3A_233 = arith.constant dense<0.000000e+00> : vector<207x32x128xf32>
    %dot_general3A_234 = tpu.matmul %get3A_229, %get3A_232, %dot_general3A_233 {dimension_numbers = #tpu.dot_dimension_numbers<[2], [0], [0, 1], [1], [0, 0, 0, 1, 1, 1], [], []>, transpose_lhs_hint = false} : vector<207x32x768xbf16>, vector<768x128xbf16>, vector<207x32x128xf32> -> vector<207x32x128xf32>
    %get3A_235 = arith.constant 0 : index
    %get3A_236 = vector.load %arg12[%get3A_235] : memref<128xf32, #tpu.memory_space<vmem>>, vector<128xf32>
    %broadcast_in_dim3A_237 = vector.shape_cast %get3A_236 : vector<128xf32> to vector<1x1x128xf32>
    %add3A_238 = vector.broadcast %broadcast_in_dim3A_237 : vector<1x1x128xf32> to vector<207x32x128xf32>
    %add3A_239 = arith.addf %dot_general3A_234, %add3A_238 : vector<207x32x128xf32>
    %tanh3A_240 = math.tanh %add3A_239 : vector<207x32x128xf32>
    %sub3A_241 = arith.subf %get3A_147, %tanh3A_240 : vector<207x32x128xf32>
    %mul3A_242 = arith.mulf %logistic3A_205, %sub3A_241 : vector<207x32x128xf32>
    %add3A_243 = arith.addf %tanh3A_240, %mul3A_242 : vector<207x32x128xf32>
    %swap3A_244 = arith.constant 0 : index
    %swap3A_245 = arith.constant 0 : index
    %swap3A_246 = arith.constant 0 : index
    %swap3A_247 = vector.load %arg16[%swap3A_244, %swap3A_245, %swap3A_246] : memref<207x32x128xf32, #tpu.memory_space<vmem>>, vector<207x32x128xf32>
    tpu.vector_store %arg16[%swap3A_244, %swap3A_245, %swap3A_246], %add3A_243 {strides = array<i32>} : memref<207x32x128xf32, #tpu.memory_space<vmem>>, vector<207x32x128xf32>,
    %convert_element_type3A_248 = arith.truncf %add3A_243 : vector<207x32x128xf32> to vector<207x32x128xbf16>
    %swap3A_249 = arith.constant 0 : index
    %swap3A_250 = arith.constant 0 : index
    %swap3A_251 = arith.constant 0 : index
    %swap3A_252 = arith.constant 0 : index
    %swap3A_253 = vector.load %arg13[%swap3A_249, %swap3A_250, %swap3A_251, %swap3A_252] : memref<1x207x32x128xbf16, #tpu.memory_space<vmem>>, vector<1x207x32x128xbf16>
    %swap3A_254 = vector.shape_cast %swap3A_253 : vector<1x207x32x128xbf16> to vector<207x32x128xbf16>
    %swap3A_255 = vector.shape_cast %convert_element_type3A_248 : vector<207x32x128xbf16> to vector<1x207x32x128xbf16>
    tpu.vector_store %arg13[%swap3A_249, %swap3A_250, %swap3A_251, %swap3A_252], %swap3A_255 {strides = array<i32>} : memref<1x207x32x128xbf16, #tpu.memory_space<vmem>>, vector<1x207x32x128xbf16>,
    %eq3A_256 = arith.constant 11 : i32
    %eq3A_257 = arith.cmpi eq, %arg0, %eq3A_256 : i32
    %convert_element_type3A_258 = arith.extui %eq3A_257 : i1 to i32
    %cond3A_259 = arith.constant 0 : i32
    %cond3A_260 = arith.cmpi ne, %convert_element_type3A_258, %cond3A_259 : i32
    scf.if %cond3A_260 {
      %convert_element_type3A_261 = arith.truncf %add3A_120 : vector<207x32x128xf32> to vector<207x32x128xbf16>
      %swap3A_262 = arith.constant 0 : index
      %swap3A_263 = arith.constant 0 : index
      %swap3A_264 = arith.constant 0 : index
      %swap3A_265 = vector.load %arg14[%swap3A_262, %swap3A_263, %swap3A_264] : memref<207x32x128xbf16, #tpu.memory_space<vmem>>, vector<207x32x128xbf16>
      tpu.vector_store %arg14[%swap3A_262, %swap3A_263, %swap3A_264], %convert_element_type3A_261 {strides = array<i32>} : memref<207x32x128xbf16, #tpu.memory_space<vmem>>, vector<207x32x128xbf16>,
    } else {
    }
    return
  }
  func.func @transform_0(%arg0: i32) -> (i32, i32, i32, i32) {
    %c0_i32 = arith.constant 0 : i32
    %c0_i32_0 = arith.constant 0 : i32
    %c0_i32_1 = arith.constant 0 : i32
    %c0_i32_2 = arith.constant 0 : i32
    return %arg0, %c0_i32, %c0_i32_0, %c0_i32_1 : i32, i32, i32, i32
  }
  func.func @transform_1(%arg0: i32) -> (i32, i32) {
    %c0_i32 = arith.constant 0 : i32
    %c0_i32_0 = arith.constant 0 : i32
    %c0_i32_1 = arith.constant 0 : i32
    return %c0_i32, %c0_i32_0 : i32, i32
  }
  func.func @transform_2(%arg0: i32) -> (i32, i32) {
    %c0_i32 = arith.constant 0 : i32
    %c0_i32_0 = arith.constant 0 : i32
    %c0_i32_1 = arith.constant 0 : i32
    return %c0_i32, %c0_i32_0 : i32, i32
  }
  func.func @transform_3(%arg0: i32) -> (i32, i32) {
    %c0_i32 = arith.constant 0 : i32
    %c0_i32_0 = arith.constant 0 : i32
    %c0_i32_1 = arith.constant 0 : i32
    return %c0_i32, %c0_i32_0 : i32, i32
  }
  func.func @transform_4(%arg0: i32) -> (i32, i32) {
    %c0_i32 = arith.constant 0 : i32
    %c0_i32_0 = arith.constant 0 : i32
    %c0_i32_1 = arith.constant 0 : i32
    return %c0_i32, %c0_i32_0 : i32, i32
  }
  func.func @transform_5(%arg0: i32) -> (i32, i32) {
    %c0_i32 = arith.constant 0 : i32
    %c0_i32_0 = arith.constant 0 : i32
    %c0_i32_1 = arith.constant 0 : i32
    return %c0_i32, %c0_i32_0 : i32, i32
  }
  func.func @transform_6(%arg0: i32) -> (i32, i32) {
    %c0_i32 = arith.constant 0 : i32
    %c0_i32_0 = arith.constant 0 : i32
    %c0_i32_1 = arith.constant 0 : i32
    return %c0_i32, %c0_i32_0 : i32, i32
  }
  func.func @transform_7(%arg0: i32) -> i32 {
    %c0_i32 = arith.constant 0 : i32
    %c0_i32_0 = arith.constant 0 : i32
    return %c0_i32 : i32
  }
  func.func @transform_8(%arg0: i32) -> (i32, i32) {
    %c0_i32 = arith.constant 0 : i32
    %c0_i32_0 = arith.constant 0 : i32
    %c0_i32_1 = arith.constant 0 : i32
    return %c0_i32, %c0_i32_0 : i32, i32
  }
  func.func @transform_9(%arg0: i32) -> (i32, i32) {
    %c0_i32 = arith.constant 0 : i32
    %c0_i32_0 = arith.constant 0 : i32
    %c0_i32_1 = arith.constant 0 : i32
    return %c0_i32, %c0_i32_0 : i32, i32
  }
  func.func @transform_10(%arg0: i32) -> (i32, i32) {
    %c0_i32 = arith.constant 0 : i32
    %c0_i32_0 = arith.constant 0 : i32
    %c0_i32_1 = arith.constant 0 : i32
    return %c0_i32, %c0_i32_0 : i32, i32
  }
  func.func @transform_11(%arg0: i32) -> i32 {
    %c0_i32 = arith.constant 0 : i32
    %c0_i32_0 = arith.constant 0 : i32
    return %c0_i32 : i32
  }
  func.func @transform_12(%arg0: i32) -> (i32, i32, i32, i32) {
    %c0_i32 = arith.constant 0 : i32
    %c0_i32_0 = arith.constant 0 : i32
    %c0_i32_1 = arith.constant 0 : i32
    %c0_i32_2 = arith.constant 0 : i32
    return %arg0, %c0_i32, %c0_i32_0, %c0_i32_1 : i32, i32, i32, i32
  }
  func.func @transform_13(%arg0: i32) -> (i32, i32, i32) {
    %c0_i32 = arith.constant 0 : i32
    %c0_i32_0 = arith.constant 0 : i32
    %c0_i32_1 = arith.constant 0 : i32
    %c0_i32_2 = arith.constant 0 : i32
    return %c0_i32, %c0_i32_0, %c0_i32_1 : i32, i32, i32
  }
}

</mosaic_0001>

<sc_bundles>
// kernel: sparse-core-data-format-call.cloned.1.call-start
scs
called_computation_lowered:
.L_overlay_start_0:
0x0: {  	s1 =	sld [smem:$0x3FD9]  }
0x1: {  	s2 =	sld [smem:$0x3FFE];
	_ =	sdelay $0x1  }
0x2: {  	s3 =	srdreg.scid  }
0x3: {  	s0 =	sand.u32 $0x1, s3  }
0x4: {  	s17 =	sshll.u32 s0, $0xA;
	s1 =	sadd.s32 s2, s1  }
0x5: {  	s1 =	sadd.s32 s1, s17  }
0x6: {  	[smem:$0x3FBE] =	sst s1  }
0x7: {  	_ = 	snop  }
0x8: {  	(tm) =	ssettm $0x1  }
0x9: {  	s18 =	sld [smem:$0x3FFB];
	_ =	sdelay $0x3  }
0xa: {  	_ =	strace s18  }
0xb: {  	s1 =	sld [smem:$0x3FFC];
	_ =	sdelay $0x3  }
0xc: {  	_ =	strace s1  }
0xd: {  	s1 =	sld [smem:$0x3FFD];
	_ =	sdelay $0x3  }
0xe: {  	_ =	strace s1  }
0xf: {  	_ =	strace $0x8FFFFFFF  }
0x10: {  	s19 =	sld [smem:$0x3FDB];
	_ =	sdelay $0x1  }
0x11: {  	s20 =	simm.s32 $_scs_section_size  }
0x12: {  	s4 =	simm.s32 $_size__tile_overlayer_lowered;
	s5 =	simm.s32 $_tile_overlayer_lowered  }
0x13: {  	s23 =	simm.s32 $0x1BFF;
	s22 =	sshll.u32 s5, $0x1;
	s1 =	sadd.s32 s20, s19  }
0x14: {  	s6 =	simm.s32 $0x0;
	s21 =	sshll.u32 s4, $0x1;
	s4 =	sadd.s32 s22, s1  }
0x15: {  	[timem:s6], [sflag:s23] =	dma.local [hbm:s4], s21  }
0x16: {  	_ =	swait.ge [sflag:s23], s21  }
0x17: {  	s2 =	ssub.s32 $0x0, s21;
	[sflag:s23] =	ssyncset.done $0x0  }
0x18: {  	[sflag:s23] =	ssyncadd.s32 s2;
	_ =	sdelay $0x1  }
0x19: {  	s24 =	simm.s32 $0x1B8B  }
0x1a: {  	_ =	swait.ge [sflag:s24], $0x1  }
0x1b: {  	[sflag:s24] =	ssyncset.done $0x0  }
0x1c: {  	s26 =	simm.s32 $0x1B8E;
	s25 =	sld [smem:$0x3FFE];
	[sflag:s24] =	ssyncadd.s32 $0xFFFFFFFF  }
0x1d: {  	s27 =	simm.s32 $execute0_lowered;
	[smem:$0x3FD2] =	sst s26  }
0x1e: {  	s4 =	sshll.u32 s27, $0x1;
	_ =	strace $0x80000046;
	[dreg:$0x1] =	wrdreg $0xFFFFFFFF  }
0x1f: {  	s28 =	simm.s32 $_size_execute0_lowered;
	s1 =	sadd.s32 s1, s4;
	[dreg:$0x0] =	wrdreg $0x0  }
0x20: {  	s4 =	sshll.u32 s28, $0x1;
	[dreg:$0x2] =	wrdreg s1  }
0x21: {  	[dreg:$0x3] =	wrdreg s4  }
0x22: {  	[dreg:$0x4] =	wrdreg $0xC0  }
0x23: {  	_ =	task [dreg:s6], $0x5FFFF  }
0x24: {  	[dreg:$0x1] =	wrdreg $0xFFFFFFFF  }
0x25: {  	[dreg:$0x0] =	wrdreg $0x60  }
0x26: {  	[dreg:$0x2] =	wrdreg s25  }
0x27: {  	[dreg:$0x3] =	wrdreg $0x9  }
0x28: {  	_ =	task.clear_ibuf [dreg:s6], $0x4FFFF;
	_ =	strace $0x90000046  }
0x29: {  	s29 =	simm.s32 $0x9;
	_ =	strace $0x80000048  }
0x2a: {  	_ =	swait.ge [sflag:s29], $0x1  }
0x2b: {  	[sflag:s29] =	ssyncadd.s32 $0xFFFFFFFF  }
0x2c: {  	_ =	strace $0x90000048  }
0x2d: {  	_ =	sfence  }
0x2e: {  	s30 =	sld [smem:$0x0];
	_ =	sdelay $0x2  }
0x2f: {  	s31 =	sshll.u32 s3, $0xD;
	s3 =	sshrl.u32 s3, $0x2  }
0x30: {  	s2 =	sand.u32 $0x4000, s31;
	s1 =	sadd.s32 s3, s30  }
0x31: {  	s0 =	sor.u32 s2, s0;
	s1 =	sshll.u32 s1, $0x11  }
0x32: {  	s0 =	sor.u32 s1, s0  }
0x33: {  	s0 =	sadd.s32 $0x8F2B, s0  }
0x34: {  	[sflag:s0] =	ssyncadd.remote.s32 $0x1  }
0x35: {  	_ =	sfence.sel $0xFFFF  }
0x36: {  	[dreg:$0x0] =	wrdreg $0xFFFFFFFF;
	(pc) =	sbr.abs _section_cstart, $3  }
0x37: {  	[dreg:$0x1] =	wrdreg $0xFFFFFFFF  }
0x38: {  	_ =	task.clear_ibuf [dreg:s6], $0x2FFFF;
	_ =	strace $0x9FFFFFFF  }
0x39: {  	(tm) =	ssettm $0x7FFFFFFF  }
tec
execute0_lowered:
.L_overlay_start_1:
0x0: {  	(tag) =	ssettag $0x1  }
0x1: {  	s4 =	rddreg [dreg:$0x0]  }
0x2: {  	s0 =	rddreg [dreg:$0x1];
	_ =	strace $0x80000047;
	s3 =	srdreg.scid  }
0x3: {  	s1 =	stileid.u32;
	s6 =	simm.s32 $0x2;
	s13 =	simm.s32 $0x0  }
0x4: {  	p0 =	por $0x0, $0x0;
	s7 =	simm.s32 $0x80;
	s14 =	simm.s32 $0x0  }
.Ltmp0:
0x5: {  	s9 =	simm.s32 $0x0;
	s10 =	simm.s32 $0x0;
	(pc) =	sbr.rel .LBB1_1-.Ltmp0, $4  }
0x6: {  	s12 =	simm.s32 $0x0;
	s8 =	simm.s32 $0x0;
	s5 =	sshll.u32 s3, $0x4  }
0x7: {  	s2 =	sadd.s32 $0x3C00, s4;
	s3 =	simm.s32 $0x1;
	s5 =	sand.u32 $0x10, s5  }
0x8: {  	s4 =	sadd.s32 $0x183C00, s4;
	[sflag:s3] =	ssyncpa.u1 $0x0;
	s5 =	sor.u32 s1, s5  }
0x9: {  	[sflag:s6] =	ssyncpa.u1 $0x0;
	s6 =	simm.s32 $0x40;
	s11 =	smov.u32 s5  }
.LBB1_5:
0xa: {  	p1 =	slt.u32 s8, $0x2;
	s16 =	smov.u32 s14;
	s8 =	sadd.s32 $0x1, s8  }
0xb: {  	p2 =	sgt.s32 @!p1 s14, $0xB;
	s15 =	sshra.s32 @!p1 s14, $0x1F;
	p3 =	sgt.s32 @!p1 s13, $0x3F  }
0xc: {  	s17 =	sshra.s32 @!p1 s13, $0x1F;
	p2 =	por !p2, p1;
	s14 =	sand.u32 @!p1 s15, s14  }
0xd: {  	p3 =	por !p3, p1;
	s15 =	smov.u32 s13;
	s16 =	simm.s32 @p2 $0xB  }
0xe: {  	s13 =	sand.u32 @!p1 s17, s13;
	s15 =	simm.s32 @p3 $0x3F;
	s14 =	ssub.s32 @!p1 s16, s14  }
0xf: {  	p0 =	por !p0, !p0;
	s13 =	ssub.s32 @!p1 s15, s13;
	s15 =	sadd.s32 @!p1 $0xFFFFFFF5, s14  }
0x10: {  	s14 =	ssub.s32 @!p1 $0xC, s14;
	s16 =	sadd.s32 @!p1 $0xFFFFFFC1, s13;
	s13 =	ssub.s32 @!p1 $0x40, s13  }
0x11: {  	p2 =	sgt.s32 @!p1 s15, $0x0;
	p3 =	sgt.s32 @!p1 s16, $0x0;
	s14 =	smul.u32 @!p1 $0xD000, s14  }
0x12: {  	s15 =	sadd.s32 $0x20, s11;
	p3 =	por !p3, p1;
	p2 =	por !p2, p1  }
0x13: {  	s16 =	simm.s32 @!p1 $0x2;
	s13 =	simm.s32 @!p3 $0x0;
	s14 =	simm.s32 @!p2 $0x0  }
0x14: {  	p2 =	sgt.s32 s15, $0x3F;
	s13 =	smul.u32 @!p1 s13, s14;
	s14 =	simm.s32 $0x1  }
0x15: {  	s15 =	smov.u32 @p2 s5;
	s14 =	simm.s32 @!p2 $0x0;
	p2 =	sne.s32 s8, $0x1A  }
.Ltmp1:
0x16: {  	s13 =	sshrl.u32 @!p1 s13, $0x2;
	s18 =	sadd.s32 s14, s12;
	(pc) =	sbr.rel @!p2 .LBB1_6-.Ltmp1, $4  }
0x17: {  	s14 =	smov.u32 s10;
	s10 =	smov.u32 s12;
	_ =	swait.ge @!p1 [sflag:s16], s13  }
0x18: {  	s17 =	ssub.s32 @!p1 $0x0, s13;
	p3 =	sgt.s32 s18, $0xB;
	s13 =	smov.u32 s9  }
0x19: {  	s9 =	smov.u32 s11;
	[sflag:s16] =	ssyncset.done @!p1 $0x0;
	s18 =	simm.s32 @p3 $0x0  }
0x1a: {  	s11 =	smov.u32 s15;
	[sflag:s16] =	ssyncadd.s32 @!p1 s17;
	s12 =	smov.u32 s18  }
.LBB1_1:
0x1b: {  	p1 =	sgt.u32 s8, $0x17  }
0x1c: {  	s15 =	sxor.u32 @!p1 $0xFFFFFFFF, s8;
	s16 =	sshll.u32 @!p1 s12, $0x11  }
0x1d: {  	s17 =	sshll.u32 @!p1 s11, $0xB;
	s15 =	sshll.u32 @!p1 s15, $0xE;
	s16 =	sadd.s32 @!p1 s2, s16  }
0x1e: {  	s15 =	sand.u32 @!p1 $0x4000, s15;
	s16 =	sadd.s32 @!p1 s17, s16;
	s17 =	simm.s32 @!p1 $0x0  }
0x1f: {  	[tilespmem:s15], [sflag:$0x1] =	stream.linear.gather @!p1 [hbm4b:s16+s17], $0x4000, $0x38;
	[tilespmem:$0x10200] =	vst v63  }
0x20: {  	p1 =	seq.s32 s8, $0x0  }
0x21: {  	p2 =	seq.s32 @!p1 s8, $0x19  }
0x22: {  	p1 =	por p1, p2  }
.Ltmp2:
0x23: {  	_ = 	snop;
	(pc) =	sbr.rel @p1 .LBB1_5-.Ltmp2, $1  }
0x24: {  	_ =	sdelay $0x3  }
0x25: {  	s18 =	simm.s32 $0x0  }
0x26: {  	s17 =	sand.u32 $0x3800, s18;
	s19 =	sand.u32 $0x380, s18  }
0x27: {  	s15 =	sand.u32 $0x1, s8;
	s17 =	sor.u32 s19, s17  }
0x28: {  	_ =	swait.ge [sflag:s3], $0x4000;
	s16 =	sshll.u32 s15, $0xE;
	s19 =	sand.u32 $0x3B00, s17  }
0x29: {  	[sflag:s3] =	ssyncset.done $0x0;
	s18 =	sand.u32 $0x80, s18;
	s19 =	sadd.s32 s19, s16  }
0x2a: {  	[sflag:s3] =	ssyncadd.s32 $0xFFFFC000;
	s21 =	sadd.s32 s18, s19  }
0x2b: {  	v4 =	vld [tilespmem:s21+$0x400]  }
0x2c: {  	s20 =	simm.s32 $0x1;
	v5 =	vld [tilespmem:s21+$0x0]  }
0x2d: {  	s20 =	simm.s32 @!p0 $0x0;
	v6 =	vld [tilespmem:s21+$0x10]  }
0x2e: {  	v0 =	vmov s16;
	s31 =	smul.u32 $0x10400, s20;
	v7 =	vld [tilespmem:s21+$0x20]  }
0x2f: {  	v9 =	vld [tilespmem:s21+$0x30]  }
0x30: {  	s18 =	sshrl.u32 s31, $0x2;
	v10 =	vld [tilespmem:s21+$0x40]  }
0x31: {  	s18 =	sor.u32 $0x8000, s18;
	v11 =	vld [tilespmem:s21+$0x50]  }
0x32: {  	v8 =	vld [tilespmem:s21+$0x60];
	s19 =	sadd.s32 $0x0, s18  }
0x33: {  	v1 =	vld.idx.msk [tilespmem:v0+s17+$0x410 ss:$0x1], $0xffff;
	[tilespmem:s19+$0x2080 ss:$0x41] =	vst.msk $0xffff, v4  }
0x34: {  	v2 =	vld.idx.msk [tilespmem:v0+s17+$0x420 ss:$0x1], $0xffff;
	[tilespmem:s19+$0x0 ss:$0x41] =	vst.msk $0xffff, v5  }
0x35: {  	v3 =	vld.idx.msk [tilespmem:v0+s17+$0x430 ss:$0x1], $0xffff;
	[tilespmem:s19+$0x410 ss:$0x41] =	vst.msk $0xffff, v6  }
0x36: {  	s15 =	smul.u32 $0x10400, s15;
	[tilespmem:s19+$0x820 ss:$0x41] =	vst.msk $0xffff, v7;
	v7 =	vld [tilespmem:s21+$0x70]  }
0x37: {  	s22 =	simm.s32 $0x100;
	s23 =	simm.s32 $0x8;
	[tilespmem:s19+$0xC30 ss:$0x41] =	vst.msk $0xffff, v9;
	v4 =	vld.idx.msk [tilespmem:v0+s17+$0x440 ss:$0x1], $0xffff  }
0x38: {  	s24 =	sand.u32 $0x3800, s22;
	s15 =	sshrl.u32 s15, $0x2;
	[tilespmem:s19+$0x1040 ss:$0x41] =	vst.msk $0xffff, v10;
	v5 =	vld.idx.msk [tilespmem:v0+s17+$0x450 ss:$0x1], $0xffff;
	s21 =	simm.s32 $0x80  }
0x39: {  	s20 =	simm.s32 $0x4;
	s15 =	sor.u32 $0x8000, s15;
	[tilespmem:s19+$0x1450 ss:$0x41] =	vst.msk $0xffff, v11;
	v6 =	vld.idx.msk [tilespmem:v0+s17+$0x460 ss:$0x1], $0xffff;
	s25 =	sand.u32 $0x380, s21  }
.LBB1_3:
0x3a: {  	p1 =	sne.s32 s23, $0xFC;
	[tilespmem:s19+$0x1860 ss:$0x41] =	vst.msk $0xffff, v8;
	v8 =	vld.idx.msk [tilespmem:v0+s17+$0x470 ss:$0x1], $0xffff;
	s17 =	sor.u32 s25, s24  }
0x3b: {  	s24 =	sand.u32 $0x3B00, s17;
	v9 =	vld.idx.msk [tilespmem:v0+s17+$0x410 ss:$0x1], $0xffff;
	[tilespmem:s19+$0x1C70 ss:$0x41] =	vst.msk $0xffff, v7  }
0x3c: {  	s25 =	sand.u32 $0x80, s21;
	s24 =	sadd.s32 s24, s16;
	v7 =	vld.idx.msk [tilespmem:v0+s17+$0x420 ss:$0x1], $0xffff;
	[tilespmem:s19+$0x2490 ss:$0x41] =	vst.msk $0xffff, v1  }
0x3d: {  	s24 =	sadd.s32 s25, s24;
	v10 =	vld.idx.msk [tilespmem:v0+s17+$0x430 ss:$0x1], $0xffff;
	[tilespmem:s19+$0x28A0 ss:$0x41] =	vst.msk $0xffff, v2  }
0x3e: {  	v11 =	vld [tilespmem:s24+$0x400];
	[tilespmem:s19+$0x2CB0 ss:$0x41] =	vst.msk $0xffff, v3  }
0x3f: {  	v12 =	vld [tilespmem:s24+$0x0];
	[tilespmem:s19+$0x30C0 ss:$0x41] =	vst.msk $0xffff, v4  }
0x40: {  	v4 =	vld [tilespmem:s24+$0x10];
	[tilespmem:s19+$0x34D0 ss:$0x41] =	vst.msk $0xffff, v5  }
0x41: {  	s25 =	sshra.s32 s20, $0x2;
	s20 =	smov.u32 s23;
	v1 =	vmov v9;
	v5 =	vld [tilespmem:s24+$0x20];
	[tilespmem:s19+$0x38E0 ss:$0x41] =	vst.msk $0xffff, v6  }
0x42: {  	v2 =	vmov v7;
	v6 =	vld [tilespmem:s24+$0x30];
	[tilespmem:s19+$0x3CF0 ss:$0x41] =	vst.msk $0xffff, v8;
	s19 =	sadd.s32 s25, s18  }
0x43: {  	v3 =	vmov v10;
	v9 =	vld [tilespmem:s24+$0x40];
	[tilespmem:s19+$0x2080 ss:$0x41] =	vst.msk $0xffff, v11  }
0x44: {  	[tilespmem:s19+$0x0 ss:$0x41] =	vst.msk $0xffff, v12;
	v10 =	vld [tilespmem:s24+$0x50]  }
.Ltmp3:
0x45: {  	[tilespmem:s19+$0x410 ss:$0x41] =	vst.msk $0xffff, v4;
	v8 =	vld [tilespmem:s24+$0x60];
	(pc) =	sbr.rel @p1 .LBB1_3-.Ltmp3, $4  }
0x46: {  	[tilespmem:s19+$0x820 ss:$0x41] =	vst.msk $0xffff, v5;
	v7 =	vld [tilespmem:s24+$0x70]  }
0x47: {  	[tilespmem:s19+$0xC30 ss:$0x41] =	vst.msk $0xffff, v6;
	v4 =	vld.idx.msk [tilespmem:v0+s17+$0x440 ss:$0x1], $0xffff  }
0x48: {  	s21 =	sadd.s32 $0x80, s21;
	s22 =	sadd.s32 $0x100, s22;
	[tilespmem:s19+$0x1040 ss:$0x41] =	vst.msk $0xffff, v9;
	v5 =	vld.idx.msk [tilespmem:v0+s17+$0x450 ss:$0x1], $0xffff  }
0x49: {  	s23 =	sadd.s32 $0x4, s23;
	s25 =	sand.u32 $0x380, s21;
	s24 =	sand.u32 $0x3800, s22;
	[tilespmem:s19+$0x1450 ss:$0x41] =	vst.msk $0xffff, v10;
	v6 =	vld.idx.msk [tilespmem:v0+s17+$0x460 ss:$0x1], $0xffff  }
0x4a: {  	_ =	sdelay $0x3  }
0x4b: {  	s22 =	sor.u32 s25, s24;
	v47 =	vld.idx.msk [tilespmem:v0+s17+$0x470 ss:$0x1], $0xffff  }
0x4c: {  	[tilespmem:s19+$0x1860 ss:$0x41] =	vst.msk $0xffff, v8;
	v57 =	vld.idx.msk [tilespmem:v0+s22+$0x410 ss:$0x1], $0xffff  }
0x4d: {  	[tilespmem:s19+$0x2490 ss:$0x41] =	vst.msk $0xffff, v1;
	v58 =	vld.idx.msk [tilespmem:v0+s22+$0x420 ss:$0x1], $0xffff  }
0x4e: {  	[tilespmem:s19+$0x28A0 ss:$0x41] =	vst.msk $0xffff, v2;
	v59 =	vld.idx.msk [tilespmem:v0+s22+$0x430 ss:$0x1], $0xffff  }
0x4f: {  	[tilespmem:s19+$0x2CB0 ss:$0x41] =	vst.msk $0xffff, v3;
	v60 =	vld.idx.msk [tilespmem:v0+s22+$0x440 ss:$0x1], $0xffff  }
0x50: {  	s23 =	sand.u32 $0x3B00, s22;
	[tilespmem:s19+$0x1C70 ss:$0x41] =	vst.msk $0xffff, v7;
	v61 =	vld.idx.msk [tilespmem:v0+s22+$0x450 ss:$0x1], $0xffff  }
0x51: {  	s21 =	sand.u32 $0x80, s21;
	v62 =	vld.idx.msk [tilespmem:v0+s22+$0x460 ss:$0x1], $0xffff;
	s16 =	sadd.s32 s23, s16;
	[tilespmem:s19+$0x30C0 ss:$0x41] =	vst.msk $0xffff, v4  }
0x52: {  	v63 =	vld.idx.msk [tilespmem:v0+s22+$0x470 ss:$0x1], $0xffff;
	s16 =	sadd.s32 s21, s16;
	[tilespmem:s19+$0x34D0 ss:$0x41] =	vst.msk $0xffff, v5  }
0x53: {  	s24 =	sshra.s32 s20, $0x2;
	v48 =	vld [tilespmem:s16+$0x400];
	[tilespmem:s19+$0x38E0 ss:$0x41] =	vst.msk $0xffff, v6  }
0x54: {  	s17 =	sadd.s32 s24, s18;
	v49 =	vld [tilespmem:s16+$0x0];
	[tilespmem:s19+$0x3CF0 ss:$0x41] =	vst.msk $0xffff, v47  }
0x55: {  	v50 =	vld [tilespmem:s16+$0x10];
	[tilespmem:s17+$0x2490 ss:$0x41] =	vst.msk $0xffff, v57  }
0x56: {  	v51 =	vld [tilespmem:s16+$0x20];
	[tilespmem:s17+$0x28A0 ss:$0x41] =	vst.msk $0xffff, v58  }
0x57: {  	v52 =	vld [tilespmem:s16+$0x30];
	[tilespmem:s17+$0x2CB0 ss:$0x41] =	vst.msk $0xffff, v59  }
0x58: {  	v53 =	vld [tilespmem:s16+$0x40];
	[tilespmem:s17+$0x30C0 ss:$0x41] =	vst.msk $0xffff, v60  }
0x59: {  	v54 =	vld [tilespmem:s16+$0x50];
	[tilespmem:s17+$0x34D0 ss:$0x41] =	vst.msk $0xffff, v61  }
0x5a: {  	p1 =	sgt.s32 s10, $0xB;
	s25 =	sshra.s32 s10, $0x1F;
	s26 =	sshra.s32 s9, $0x1F;
	v55 =	vld [tilespmem:s16+$0x60];
	[tilespmem:s17+$0x38E0 ss:$0x41] =	vst.msk $0xffff, v62  }
0x5b: {  	s29 =	smul.u32 $0x34000, s10;
	s18 =	sand.u32 s25, s10;
	v56 =	vld [tilespmem:s16+$0x70];
	s16 =	smov.u32 s10;
	[tilespmem:s17+$0x3CF0 ss:$0x41] =	vst.msk $0xffff, v63  }
0x5c: {  	s16 =	simm.s32 @!p1 $0xB;
	p1 =	sgt.s32 s9, $0x3F;
	s19 =	smov.u32 s9;
	[tilespmem:s17+$0x2080 ss:$0x41] =	vst.msk $0xffff, v48  }
0x5d: {  	s27 =	sand.u32 s26, s9;
	s16 =	ssub.s32 s16, s18;
	s19 =	simm.s32 @!p1 $0x3F;
	[tilespmem:s17+$0x0 ss:$0x41] =	vst.msk $0xffff, v49  }
0x5e: {  	s30 =	smul.u32 $0xD00, s9;
	s28 =	ssub.s32 $0xC, s16;
	s18 =	ssub.s32 s19, s27;
	[tilespmem:s17+$0x410 ss:$0x41] =	vst.msk $0xffff, v50  }
0x5f: {  	s16 =	sadd.s32 $0xFFFFFFF5, s16;
	s19 =	sadd.s32 $0xFFFFFFC1, s18;
	s20 =	smul.u32 $0xD000, s28;
	[tilespmem:s17+$0x820 ss:$0x41] =	vst.msk $0xffff, v51  }
0x60: {  	p1 =	sgt.s32 s16, $0x0;
	s16 =	ssub.s32 $0x40, s18;
	[tilespmem:s17+$0xC30 ss:$0x41] =	vst.msk $0xffff, v52;
	p2 =	sgt.s32 s19, $0x0  }
.Ltmp4:
0x61: {  	[tilespmem:s17+$0x1040 ss:$0x41] =	vst.msk $0xffff, v53;
	s16 =	simm.s32 @p2 $0x0;
	s20 =	simm.s32 @p1 $0x0;
	(pc) =	sbr.rel .LBB1_5-.Ltmp4, $4  }
0x62: {  	[tilespmem:s17+$0x1450 ss:$0x41] =	vst.msk $0xffff, v54;
	s16 =	smul.u32 s16, s20  }
0x63: {  	s18 =	sadd.s32 s4, s29;
	[tilespmem:s17+$0x1860 ss:$0x41] =	vst.msk $0xffff, v55  }
0x64: {  	[tilespmem:s17+$0x1C70 ss:$0x41] =	vst.msk $0xffff, v56;
	s31 =	sadd.s32 s30, s18;
	s16 =	sshrl.u32 s16, $0x2  }
0x65: {  	[hbm4b:s31+s6] =	stream.strided.scatter [tilespmem:s15], [sflag:$0x2], s16, s7, s6, $0x18;
	[tilespmem:$0x10200] =	vst v63  }
.LBB1_6:
0x66: {  	_ =	sfence.sel $0x180000  }
0x67: {  	s2 =	simm.s32 $0x1;
	[bflag:$0x0] =	sbarrier.arrive $0xFFFF  }
0x68: {  	s31 =	simm.s32 $0x2;
	[sflag:s2] =	ssyncpa.u1 $0x1  }
0x69: {  	[sflag:s31] =	ssyncpa.u1 $0x1  }
0x6a: {  	p0 =	sne.s32 s1, $0x0;
	_ =	strace $0x90000047  }
0x6b: {  	s0 =	sadd.s32 @!p0 $0x100000, s0;
	[bflag:$0x2] =	sbarrier.arrive $0xFFFF  }
0x6c: {  	[sflag:s0] =	ssyncadd.tile.s32 @!p0 $0x1;
	_ =	shalt  }
.Lfunc_end1:
_tile_overlayer_lowered:
.L_overlay_start_2:
0x6d: {  	(tag) =	ssettag $0x2  }
0x6e: {  	s0 =	rddreg [dreg:$0x0];
	s2 =	stileid.u32  }
0x6f: {  	s1 =	rddreg [dreg:$0x1];
	p0 =	sne.s32 s2, $0x0  }
0x70: {  	s3 =	rddreg [dreg:$0x2];
	[bflag:$0x3] =	sbarrier.arrive $0xFFFF;
	s2 =	simm.s32 @!p0 $0x1C01  }
0x71: {  	[timem:s3], [sflag:s2] =	dma.local @!p0 [hbm:s0], s1  }
0x72: {  	s0 =	simm.s32 @!p0 $0x1  }
0x73: {  	_ =	swait.ge @!p0 [sflag:s0], s1  }
0x74: {  	s1 =	ssub.s32 @!p0 $0x0, s1;
	[sflag:s0] =	ssyncset.done @!p0 $0x0  }
0x75: {  	[sflag:s0] =	ssyncadd.s32 @!p0 s1  }
0x76: {  	[bflag:$0x3] =	sbarrier.arrive $0xFFFF  }
0x77: {  	_ =	shalt  }

</sc_bundles>
